<compile_context>
chip_gen: v7x
topology: tpu7x:2x2x1
jax: 0.10.2.dev20260603
libtpu: 0.0.44.dev20260713+nightly
codegen_flags: <defaults>
</compile_context>

<pallas_src>
import jax
import jax.numpy as jnp
from jax import lax
from jax.experimental import pallas as pl
from jax.experimental.pallas import tpu as pltpu
from jax.experimental.pallas import tpu_sc as plsc

B = 16384
VOCAB = 1000000
EMBED = 64
D_DENSE = 128
D_HID = 256
D_OUT = 64

_CB = 2048
_SPLIT = 244 * _CB
_NPAIR = VOCAB - _SPLIT
_NG = (_NPAIR + _CB - 1) // _CB
_NW = 32

_BR = 2048


def _mlp_pair_body(dense_ref, p_ref, par_ref, w1_ref, b1_ref, wna_ref,
                   wnb2_ref, bn_ref, w2_ref, b2_ref, out_ref):
    t = jnp.dot(dense_ref[:], w1_ref[:], preferred_element_type=jnp.float32)
    t = t + b1_ref[:]
    h = jnp.dot(t, wna_ref[:], preferred_element_type=jnp.float32)
    q = jnp.dot(p_ref[:], wnb2_ref[:], preferred_element_type=jnp.float32)
    sp = jnp.where(par_ref[:] > 0.5, q[:, D_HID:], q[:, :D_HID])
    h = jnp.maximum(h + sp + bn_ref[:], 0.0)
    o = jnp.dot(h, w2_ref[:], preferred_element_type=jnp.float32)
    out_ref[:] = o + b2_ref[:]


def _mlp_pair(dense_features, pairs, par, W1, b1, WnA, WnB2, bn, W2, b2):
    return pl.pallas_call(
        _mlp_pair_body,
        grid=(B // _BR,),
        in_specs=[
            pl.BlockSpec((_BR, D_DENSE), lambda i: (i, 0)),
            pl.BlockSpec((_BR, 2 * EMBED), lambda i: (i, 0)),
            pl.BlockSpec((_BR, 1), lambda i: (i, 0)),
            pl.BlockSpec((D_DENSE, D_DENSE), lambda i: (0, 0)),
            pl.BlockSpec((1, D_DENSE), lambda i: (0, 0)),
            pl.BlockSpec((D_DENSE, D_HID), lambda i: (0, 0)),
            pl.BlockSpec((2 * EMBED, 2 * D_HID), lambda i: (0, 0)),
            pl.BlockSpec((1, D_HID), lambda i: (0, 0)),
            pl.BlockSpec((D_HID, D_OUT), lambda i: (0, 0)),
            pl.BlockSpec((1, D_OUT), lambda i: (0, 0)),
        ],
        out_specs=pl.BlockSpec((_BR, D_OUT), lambda i: (i, 0)),
        out_shape=jax.ShapeDtypeStruct((B, D_OUT), jnp.float32),
    )(dense_features, pairs, par, W1, b1.reshape(1, -1), WnA, WnB2,
      bn.reshape(1, -1), W2, b2.reshape(1, -1))


_BPW = B // _NW
_CHUNK = 128
_NCHUNK = _BPW // _CHUNK


def _pairs_body(lo_ref, hi_ref, eye_ref, out_ref):
    stack = jnp.concatenate([lo_ref[:], hi_ref[:]], axis=0)
    dn = (((0,), (0,)), ((), ()))
    out_ref[:] = lax.dot_general(
        stack, eye_ref[:], dn, preferred_element_type=jnp.float32)


def _build_pairs(table_t, eye):
    return pl.pallas_call(
        _pairs_body,
        grid=(_NG,),
        in_specs=[
            pl.BlockSpec((EMBED, _CB), lambda g: (0, g)),
            pl.BlockSpec((EMBED, _CB), lambda g: (0, 244 + g)),
            pl.BlockSpec((2 * EMBED, 2 * EMBED), lambda g: (0, 0)),
        ],
        out_specs=pl.BlockSpec((_CB, 2 * EMBED), lambda g: (g, 0)),
        out_shape=jax.ShapeDtypeStruct((_NPAIR, 2 * EMBED), jnp.float32),
    )(table_t, table_t, eye)


def _sc_gather_body(table_hbm, idx_hbm, out_hbm, idx_v, rows_v, sem):
    wid = lax.axis_index("s") * 2 + lax.axis_index("c")
    base = wid * _BPW
    pltpu.sync_copy(idx_hbm.at[wid], idx_v)
    copies = []
    for j in range(_NCHUNK):
        copies.append(
            pltpu.async_copy(
                table_hbm.at[idx_v.at[j]],
                rows_v.at[pl.ds(j * _CHUNK, _CHUNK)],
                sem,
            )
        )
    for c in copies:
        c.wait()
    pltpu.sync_copy(rows_v, out_hbm.at[pl.ds(base, _BPW)])


def _sc_gather(table_pairs, idx2):
    mesh = plsc.VectorSubcoreMesh(core_axis_name="c", subcore_axis_name="s")
    k = pl.kernel(
        _sc_gather_body,
        mesh=mesh,
        out_type=jax.ShapeDtypeStruct((B, 2 * EMBED), jnp.float32),
        scratch_types=[
            pltpu.VMEM((_NCHUNK, _CHUNK), jnp.int32),
            pltpu.VMEM((_BPW, 2 * EMBED), jnp.float32),
            pltpu.SemaphoreType.DMA,
        ],
        compiler_params=pltpu.CompilerParams(use_tc_tiling_on_sc=False),
    )
    return k(table_pairs, idx2)


def kernel(dense_features, sparse_features, labels, em_table, W1, b1, Wn, bn,
           W2, b2):
    idx = sparse_features.astype(jnp.int32)
    table_t = em_table.T
    WnA = Wn[:D_DENSE]
    WnB = Wn[D_DENSE:]
    WnB2 = jnp.zeros((2 * EMBED, 2 * D_HID), jnp.float32)
    WnB2 = WnB2.at[:EMBED, :D_HID].set(WnB).at[EMBED:, D_HID:].set(WnB)
    par = (idx >= _SPLIT).astype(jnp.float32).reshape(B, 1)
    pr = jnp.where(idx >= _SPLIT, idx - _SPLIT, idx)
    eye = jnp.eye(2 * EMBED, dtype=jnp.float32)

    pairs_table = _build_pairs(table_t, eye)
    idx2 = pr.reshape(_NW, _NCHUNK, _CHUNK)
    pairs = _sc_gather(pairs_table, idx2)
    return _mlp_pair(dense_features, pairs, par, W1, b1, WnA, WnB2, bn,
                     W2, b2)

# --- scband reference (transcript-rebuilt; emitter-appended) ---
"""Pipeline reference for scband-hybrid-model-27144193311519 (READ-ONLY COPY).

The authoritative reference and input builder live on the scoring server;
editing this copy changes nothing except your own understanding.
"""

import jax, jax.numpy as jnp
import numpy as np

B = 16384
VOCAB = 1000000
EMBED = 64
D_DENSE = 128
D_HID = 256
D_OUT = 64


def setup_inputs(seed: int = 0) -> dict:
    key = jax.random.key(seed)
    ks = jax.random.split(key, 10)
    dense_features = jax.random.normal(ks[0], (B, D_DENSE), dtype=jnp.float32)
    sparse_features = jax.random.randint(ks[1], (B,), 0, VOCAB, dtype=jnp.int64 if jax.config.read('jax_enable_x64') else jnp.int32)
    labels = jax.random.randint(ks[2], (B,), 0, D_OUT, dtype=jnp.int32)
    em_table = jax.random.normal(ks[3], (VOCAB, EMBED), dtype=jnp.float32) * 0.01
    W1 = jax.random.normal(ks[4], (D_DENSE, D_DENSE), dtype=jnp.float32) * (1.0 / np.sqrt(D_DENSE))
    b1 = jnp.zeros((D_DENSE,), dtype=jnp.float32)
    Wn = jax.random.normal(ks[5], (D_DENSE + EMBED, D_HID), dtype=jnp.float32) * (1.0 / np.sqrt(D_DENSE + EMBED))
    bn = jnp.zeros((D_HID,), dtype=jnp.float32)
    W2 = jax.random.normal(ks[6], (D_HID, D_OUT), dtype=jnp.float32) * (1.0 / np.sqrt(D_HID))
    b2 = jnp.zeros((D_OUT,), dtype=jnp.float32)
    return {
        'dense_features': dense_features,
        'sparse_features': sparse_features,
        'labels': labels,
        'em_table': em_table,
        'W1': W1, 'b1': b1,
        'Wn': Wn, 'bn': bn,
        'W2': W2, 'b2': b2,
    }


def reference(dense_features, sparse_features, labels, em_table, W1, b1, Wn, bn, W2, b2):
    # RemoteEM: EmbeddingBag with offsets=range(B) over 1-D indices -> one index per bag,
    # i.e. a plain embedding row gather.
    sparse = jnp.take(em_table, sparse_features, axis=0)  # [B, EMBED]
    # HybridModel.fc1 on dense features
    dense = dense_features @ W1 + b1  # [B, D_DENSE]
    # concat dense + sparse along feature dim
    x = jnp.concatenate((dense, sparse), axis=1)  # [B, D_DENSE+EMBED]
    # RemoteNet: Linear + ReLU
    x = jax.nn.relu(x @ Wn + bn)  # [B, D_HID]
    # HybridModel.fc2
    out = x @ W2 + b2  # [B, D_OUT]
    return out

if __name__ == "__main__":
    import jax
    _d = setup_inputs()
    print(jax.jit(kernel)(*tuple(_d.values())))

</pallas_src>

<mosaic_0001>
#map = affine_map<(d0, d1) -> (0, 0)>
#map1 = affine_map<(d0, d1) -> (0, 0, 0)>
module attributes {stable_mosaic.version = 14 : i64} {
  func.func @_sc_gather_body(%arg0: i32, %arg1: i32, %arg2: memref<500288x128xf32, #tpu.memory_space<hbm>>, %arg3: memref<32x4x128xi32, #tpu.memory_space<hbm>>, %arg4: memref<16384x128xf32, #tpu.memory_space<hbm>>, %arg5: memref<4x128xi32, #tpu.memory_space<vmem>>, %arg6: memref<512x128xf32, #tpu.memory_space<vmem>>, %arg7: memref<!tpu.dma_semaphore, #tpu.memory_space<semaphore_mem>>) attributes {dimension_semantics = [#tpu.dimension_semantics<core_parallel>, #tpu.dimension_semantics<subcore_parallel>], iteration_bounds = array<i64: 2, 16>, scalar_prefetch = 0 : i64, scratch_operands = 3 : i64, tpu.core_type = #tpu.core_type<sc_vector_subcore>, window_params = [{transform_indices = #map}, {transform_indices = #map1}, {transform_indices = #map}]} {
    %mul3A = arith.constant 2 : i32
    %mul3A_0 = arith.muli %arg1, %mul3A : i32
    %add3A = arith.addi %mul3A_0, %arg0 : i32
    %mul3A_1 = arith.constant 512 : i32
    %mul3A_2 = arith.muli %add3A, %mul3A_1 : i32
    "tpu.region"() ({
      %run_scoped3A = tpu.sem_alloc : memref<!tpu.dma_semaphore, #tpu.memory_space<semaphore_mem>>
      %dma_start3A_81 = arith.constant 0 : i32
      %dma_start3A_82 = arith.constant 0 : i32
      %dma_start3A_83 = tpu.memref_slice %arg3[%add3A, %dma_start3A_81, %dma_start3A_82] : memref<32x4x128xi32, #tpu.memory_space<hbm>> -> memref<1x4x128xi32, #tpu.memory_space<hbm>>
      %dma_start3A_84 = tpu.memref_squeeze %dma_start3A_83 : memref<1x4x128xi32, #tpu.memory_space<hbm>> -> memref<4x128xi32, #tpu.memory_space<hbm>>
      %dma_start3A_85 = arith.constant 0 : i32
      %dma_start3A_86 = arith.constant 0 : i32
      %dma_start3A_87 = tpu.memref_slice %arg3[%add3A, %dma_start3A_85, %dma_start3A_86] : memref<32x4x128xi32, #tpu.memory_space<hbm>> -> memref<1x4x128xi32, #tpu.memory_space<hbm>>
      %dma_start3A_88 = tpu.memref_squeeze %dma_start3A_87 : memref<1x4x128xi32, #tpu.memory_space<hbm>> -> memref<4x128xi32, #tpu.memory_space<hbm>>
      tpu.enqueue_dma source(%dma_start3A_88 : memref<4x128xi32, #tpu.memory_space<hbm>>) target(%arg5 : memref<4x128xi32, #tpu.memory_space<vmem>>) target_semaphore(%run_scoped3A : memref<!tpu.dma_semaphore, #tpu.memory_space<semaphore_mem>>)
      %dma_wait3A_89 = arith.constant 0 : i32
      %dma_wait3A_90 = arith.constant 0 : i32
      %dma_wait3A_91 = tpu.memref_slice %arg3[%add3A, %dma_wait3A_89, %dma_wait3A_90] : memref<32x4x128xi32, #tpu.memory_space<hbm>> -> memref<1x4x128xi32, #tpu.memory_space<hbm>>
      %dma_wait3A_92 = tpu.memref_squeeze %dma_wait3A_91 : memref<1x4x128xi32, #tpu.memory_space<hbm>> -> memref<4x128xi32, #tpu.memory_space<hbm>>
      %dma_wait3A_93 = arith.constant 0 : i32
      %dma_wait3A_94 = arith.constant 0 : i32
      %dma_wait3A_95 = tpu.memref_slice %arg3[%add3A, %dma_wait3A_93, %dma_wait3A_94] : memref<32x4x128xi32, #tpu.memory_space<hbm>> -> memref<1x4x128xi32, #tpu.memory_space<hbm>>
      %dma_wait3A_96 = tpu.memref_squeeze %dma_wait3A_95 : memref<1x4x128xi32, #tpu.memory_space<hbm>> -> memref<4x128xi32, #tpu.memory_space<hbm>>
      tpu.wait_dma2 semaphore(%run_scoped3A : memref<!tpu.dma_semaphore, #tpu.memory_space<semaphore_mem>>) src(%dma_wait3A_96 : memref<4x128xi32, #tpu.memory_space<hbm>>) dst(%arg5 : memref<4x128xi32, #tpu.memory_space<vmem>>)
      tpu.yield
    }) : () -> ()
    %dma_start3A = arith.constant 0 : i32
    %dma_start3A_3 = arith.constant 0 : i32
    %dma_start3A_4 = arith.constant 0 : i32
    %dma_start3A_5 = tpu.memref_slice %arg6[%dma_start3A_3, %dma_start3A_4] : memref<512x128xf32, #tpu.memory_space<vmem>> -> memref<128x128xf32, #tpu.memory_space<vmem>>
    %dma_start3A_6 = arith.constant 0 : i32
    %dma_start3A_7 = tpu.memref_slice %arg5[%dma_start3A, %dma_start3A_6] : memref<4x128xi32, #tpu.memory_space<vmem>> -> memref<1x128xi32, #tpu.memory_space<vmem>>
    %dma_start3A_8 = tpu.memref_squeeze %dma_start3A_7 : memref<1x128xi32, #tpu.memory_space<vmem>> -> memref<128xi32, #tpu.memory_space<vmem>>
    %dma_start3A_9 = arith.constant 0 : i32
    %dma_start3A_10 = arith.constant 0 : i32
    %dma_start3A_11 = tpu.memref_slice %arg2[%dma_start3A_9, %dma_start3A_10] : memref<500288x128xf32, #tpu.memory_space<hbm>> -> memref<500288x128xf32, #tpu.memory_space<hbm>>
    tpu.enqueue_indirect_dma source(%dma_start3A_11 : memref<500288x128xf32, #tpu.memory_space<hbm>>) target(%dma_start3A_5 : memref<128x128xf32, #tpu.memory_space<vmem>>) offsets(%dma_start3A_8 : memref<128xi32, #tpu.memory_space<vmem>>) semaphore(%arg7 : memref<!tpu.dma_semaphore, #tpu.memory_space<semaphore_mem>>)
    %dma_start3A_12 = arith.constant 1 : i32
    %dma_start3A_13 = arith.constant 128 : i32
    %dma_start3A_14 = arith.constant 0 : i32
    %dma_start3A_15 = tpu.memref_slice %arg6[%dma_start3A_13, %dma_start3A_14] : memref<512x128xf32, #tpu.memory_space<vmem>> -> memref<128x128xf32, #tpu.memory_space<vmem>>
    %dma_start3A_16 = arith.constant 0 : i32
    %dma_start3A_17 = tpu.memref_slice %arg5[%dma_start3A_12, %dma_start3A_16] : memref<4x128xi32, #tpu.memory_space<vmem>> -> memref<1x128xi32, #tpu.memory_space<vmem>>
    %dma_start3A_18 = tpu.memref_squeeze %dma_start3A_17 : memref<1x128xi32, #tpu.memory_space<vmem>> -> memref<128xi32, #tpu.memory_space<vmem>>
    %dma_start3A_19 = arith.constant 0 : i32
    %dma_start3A_20 = arith.constant 0 : i32
    %dma_start3A_21 = tpu.memref_slice %arg2[%dma_start3A_19, %dma_start3A_20] : memref<500288x128xf32, #tpu.memory_space<hbm>> -> memref<500288x128xf32, #tpu.memory_space<hbm>>
    tpu.enqueue_indirect_dma source(%dma_start3A_21 : memref<500288x128xf32, #tpu.memory_space<hbm>>) target(%dma_start3A_15 : memref<128x128xf32, #tpu.memory_space<vmem>>) offsets(%dma_start3A_18 : memref<128xi32, #tpu.memory_space<vmem>>) semaphore(%arg7 : memref<!tpu.dma_semaphore, #tpu.memory_space<semaphore_mem>>)
    %dma_start3A_22 = arith.constant 2 : i32
    %dma_start3A_23 = arith.constant 256 : i32
    %dma_start3A_24 = arith.constant 0 : i32
    %dma_start3A_25 = tpu.memref_slice %arg6[%dma_start3A_23, %dma_start3A_24] : memref<512x128xf32, #tpu.memory_space<vmem>> -> memref<128x128xf32, #tpu.memory_space<vmem>>
    %dma_start3A_26 = arith.constant 0 : i32
    %dma_start3A_27 = tpu.memref_slice %arg5[%dma_start3A_22, %dma_start3A_26] : memref<4x128xi32, #tpu.memory_space<vmem>> -> memref<1x128xi32, #tpu.memory_space<vmem>>
    %dma_start3A_28 = tpu.memref_squeeze %dma_start3A_27 : memref<1x128xi32, #tpu.memory_space<vmem>> -> memref<128xi32, #tpu.memory_space<vmem>>
    %dma_start3A_29 = arith.constant 0 : i32
    %dma_start3A_30 = arith.constant 0 : i32
    %dma_start3A_31 = tpu.memref_slice %arg2[%dma_start3A_29, %dma_start3A_30] : memref<500288x128xf32, #tpu.memory_space<hbm>> -> memref<500288x128xf32, #tpu.memory_space<hbm>>
    tpu.enqueue_indirect_dma source(%dma_start3A_31 : memref<500288x128xf32, #tpu.memory_space<hbm>>) target(%dma_start3A_25 : memref<128x128xf32, #tpu.memory_space<vmem>>) offsets(%dma_start3A_28 : memref<128xi32, #tpu.memory_space<vmem>>) semaphore(%arg7 : memref<!tpu.dma_semaphore, #tpu.memory_space<semaphore_mem>>)
    %dma_start3A_32 = arith.constant 3 : i32
    %dma_start3A_33 = arith.constant 384 : i32
    %dma_start3A_34 = arith.constant 0 : i32
    %dma_start3A_35 = tpu.memref_slice %arg6[%dma_start3A_33, %dma_start3A_34] : memref<512x128xf32, #tpu.memory_space<vmem>> -> memref<128x128xf32, #tpu.memory_space<vmem>>
    %dma_start3A_36 = arith.constant 0 : i32
    %dma_start3A_37 = tpu.memref_slice %arg5[%dma_start3A_32, %dma_start3A_36] : memref<4x128xi32, #tpu.memory_space<vmem>> -> memref<1x128xi32, #tpu.memory_space<vmem>>
    %dma_start3A_38 = tpu.memref_squeeze %dma_start3A_37 : memref<1x128xi32, #tpu.memory_space<vmem>> -> memref<128xi32, #tpu.memory_space<vmem>>
    %dma_start3A_39 = arith.constant 0 : i32
    %dma_start3A_40 = arith.constant 0 : i32
    %dma_start3A_41 = tpu.memref_slice %arg2[%dma_start3A_39, %dma_start3A_40] : memref<500288x128xf32, #tpu.memory_space<hbm>> -> memref<500288x128xf32, #tpu.memory_space<hbm>>
    tpu.enqueue_indirect_dma source(%dma_start3A_41 : memref<500288x128xf32, #tpu.memory_space<hbm>>) target(%dma_start3A_35 : memref<128x128xf32, #tpu.memory_space<vmem>>) offsets(%dma_start3A_38 : memref<128xi32, #tpu.memory_space<vmem>>) semaphore(%arg7 : memref<!tpu.dma_semaphore, #tpu.memory_space<semaphore_mem>>)
    %dma_wait3A = arith.constant 0 : i32
    %dma_wait3A_42 = arith.constant 0 : i32
    %dma_wait3A_43 = arith.constant 0 : i32
    %dma_wait3A_44 = tpu.memref_slice %arg6[%dma_wait3A_42, %dma_wait3A_43] : memref<512x128xf32, #tpu.memory_space<vmem>> -> memref<128x128xf32, #tpu.memory_space<vmem>>
    %dma_wait3A_45 = arith.constant 0 : i32
    %dma_wait3A_46 = tpu.memref_slice %arg5[%dma_wait3A, %dma_wait3A_45] : memref<4x128xi32, #tpu.memory_space<vmem>> -> memref<1x128xi32, #tpu.memory_space<vmem>>
    %dma_wait3A_47 = tpu.memref_squeeze %dma_wait3A_46 : memref<1x128xi32, #tpu.memory_space<vmem>> -> memref<128xi32, #tpu.memory_space<vmem>>
    %dma_wait3A_48 = arith.constant 0 : i32
    %dma_wait3A_49 = arith.constant 0 : i32
    %dma_wait3A_50 = tpu.memref_slice %arg2[%dma_wait3A_48, %dma_wait3A_49] : memref<500288x128xf32, #tpu.memory_space<hbm>> -> memref<500288x128xf32, #tpu.memory_space<hbm>>
    tpu.wait_indirect_dma semaphore(%arg7 : memref<!tpu.dma_semaphore, #tpu.memory_space<semaphore_mem>>) src(%dma_wait3A_50 : memref<500288x128xf32, #tpu.memory_space<hbm>>) dst(%dma_wait3A_44 : memref<128x128xf32, #tpu.memory_space<vmem>>)
    %dma_wait3A_51 = arith.constant 1 : i32
    %dma_wait3A_52 = arith.constant 128 : i32
    %dma_wait3A_53 = arith.constant 0 : i32
    %dma_wait3A_54 = tpu.memref_slice %arg6[%dma_wait3A_52, %dma_wait3A_53] : memref<512x128xf32, #tpu.memory_space<vmem>> -> memref<128x128xf32, #tpu.memory_space<vmem>>
    %dma_wait3A_55 = arith.constant 0 : i32
    %dma_wait3A_56 = tpu.memref_slice %arg5[%dma_wait3A_51, %dma_wait3A_55] : memref<4x128xi32, #tpu.memory_space<vmem>> -> memref<1x128xi32, #tpu.memory_space<vmem>>
    %dma_wait3A_57 = tpu.memref_squeeze %dma_wait3A_56 : memref<1x128xi32, #tpu.memory_space<vmem>> -> memref<128xi32, #tpu.memory_space<vmem>>
    %dma_wait3A_58 = arith.constant 0 : i32
    %dma_wait3A_59 = arith.constant 0 : i32
    %dma_wait3A_60 = tpu.memref_slice %arg2[%dma_wait3A_58, %dma_wait3A_59] : memref<500288x128xf32, #tpu.memory_space<hbm>> -> memref<500288x128xf32, #tpu.memory_space<hbm>>
    tpu.wait_indirect_dma semaphore(%arg7 : memref<!tpu.dma_semaphore, #tpu.memory_space<semaphore_mem>>) src(%dma_wait3A_60 : memref<500288x128xf32, #tpu.memory_space<hbm>>) dst(%dma_wait3A_54 : memref<128x128xf32, #tpu.memory_space<vmem>>)
    %dma_wait3A_61 = arith.constant 2 : i32
    %dma_wait3A_62 = arith.constant 256 : i32
    %dma_wait3A_63 = arith.constant 0 : i32
    %dma_wait3A_64 = tpu.memref_slice %arg6[%dma_wait3A_62, %dma_wait3A_63] : memref<512x128xf32, #tpu.memory_space<vmem>> -> memref<128x128xf32, #tpu.memory_space<vmem>>
    %dma_wait3A_65 = arith.constant 0 : i32
    %dma_wait3A_66 = tpu.memref_slice %arg5[%dma_wait3A_61, %dma_wait3A_65] : memref<4x128xi32, #tpu.memory_space<vmem>> -> memref<1x128xi32, #tpu.memory_space<vmem>>
    %dma_wait3A_67 = tpu.memref_squeeze %dma_wait3A_66 : memref<1x128xi32, #tpu.memory_space<vmem>> -> memref<128xi32, #tpu.memory_space<vmem>>
    %dma_wait3A_68 = arith.constant 0 : i32
    %dma_wait3A_69 = arith.constant 0 : i32
    %dma_wait3A_70 = tpu.memref_slice %arg2[%dma_wait3A_68, %dma_wait3A_69] : memref<500288x128xf32, #tpu.memory_space<hbm>> -> memref<500288x128xf32, #tpu.memory_space<hbm>>
    tpu.wait_indirect_dma semaphore(%arg7 : memref<!tpu.dma_semaphore, #tpu.memory_space<semaphore_mem>>) src(%dma_wait3A_70 : memref<500288x128xf32, #tpu.memory_space<hbm>>) dst(%dma_wait3A_64 : memref<128x128xf32, #tpu.memory_space<vmem>>)
    %dma_wait3A_71 = arith.constant 3 : i32
    %dma_wait3A_72 = arith.constant 384 : i32
    %dma_wait3A_73 = arith.constant 0 : i32
    %dma_wait3A_74 = tpu.memref_slice %arg6[%dma_wait3A_72, %dma_wait3A_73] : memref<512x128xf32, #tpu.memory_space<vmem>> -> memref<128x128xf32, #tpu.memory_space<vmem>>
    %dma_wait3A_75 = arith.constant 0 : i32
    %dma_wait3A_76 = tpu.memref_slice %arg5[%dma_wait3A_71, %dma_wait3A_75] : memref<4x128xi32, #tpu.memory_space<vmem>> -> memref<1x128xi32, #tpu.memory_space<vmem>>
    %dma_wait3A_77 = tpu.memref_squeeze %dma_wait3A_76 : memref<1x128xi32, #tpu.memory_space<vmem>> -> memref<128xi32, #tpu.memory_space<vmem>>
    %dma_wait3A_78 = arith.constant 0 : i32
    %dma_wait3A_79 = arith.constant 0 : i32
    %dma_wait3A_80 = tpu.memref_slice %arg2[%dma_wait3A_78, %dma_wait3A_79] : memref<500288x128xf32, #tpu.memory_space<hbm>> -> memref<500288x128xf32, #tpu.memory_space<hbm>>
    tpu.wait_indirect_dma semaphore(%arg7 : memref<!tpu.dma_semaphore, #tpu.memory_space<semaphore_mem>>) src(%dma_wait3A_80 : memref<500288x128xf32, #tpu.memory_space<hbm>>) dst(%dma_wait3A_74 : memref<128x128xf32, #tpu.memory_space<vmem>>)
    "tpu.region"() ({
      %run_scoped3A = tpu.sem_alloc : memref<!tpu.dma_semaphore, #tpu.memory_space<semaphore_mem>>
      %dma_start3A_81 = arith.constant 0 : i32
      %dma_start3A_82 = tpu.memref_slice %arg4[%mul3A_2, %dma_start3A_81] : memref<16384x128xf32, #tpu.memory_space<hbm>> -> memref<512x128xf32, #tpu.memory_space<hbm>>
      %dma_start3A_83 = arith.constant 0 : i32
      %dma_start3A_84 = tpu.memref_slice %arg4[%mul3A_2, %dma_start3A_83] : memref<16384x128xf32, #tpu.memory_space<hbm>> -> memref<512x128xf32, #tpu.memory_space<hbm>>
      tpu.enqueue_dma source(%arg6 : memref<512x128xf32, #tpu.memory_space<vmem>>) target(%dma_start3A_84 : memref<512x128xf32, #tpu.memory_space<hbm>>) target_semaphore(%run_scoped3A : memref<!tpu.dma_semaphore, #tpu.memory_space<semaphore_mem>>)
      %dma_wait3A_85 = arith.constant 0 : i32
      %dma_wait3A_86 = tpu.memref_slice %arg4[%mul3A_2, %dma_wait3A_85] : memref<16384x128xf32, #tpu.memory_space<hbm>> -> memref<512x128xf32, #tpu.memory_space<hbm>>
      %dma_wait3A_87 = arith.constant 0 : i32
      %dma_wait3A_88 = tpu.memref_slice %arg4[%mul3A_2, %dma_wait3A_87] : memref<16384x128xf32, #tpu.memory_space<hbm>> -> memref<512x128xf32, #tpu.memory_space<hbm>>
      tpu.wait_dma2 semaphore(%run_scoped3A : memref<!tpu.dma_semaphore, #tpu.memory_space<semaphore_mem>>) src(%arg6 : memref<512x128xf32, #tpu.memory_space<vmem>>) dst(%dma_wait3A_88 : memref<512x128xf32, #tpu.memory_space<hbm>>)
      tpu.yield
    }) : () -> ()
    return
  }
}

module attributes {stable_mosaic.version = 14 : i64} {
  func.func @_pairs_body(%arg0: i32, %arg1: memref<64x2048xf32, #tpu.memory_space<vmem>>, %arg2: memref<64x2048xf32, #tpu.memory_space<vmem>>, %arg3: memref<128x128xf32, #tpu.memory_space<vmem>>, %arg4: memref<2048x128xf32, #tpu.memory_space<vmem>>) attributes {dimension_semantics = [#tpu.dimension_semantics<arbitrary>], iteration_bounds = array<i64: 245>, scalar_prefetch = 0 : i64, scratch_operands = 0 : i64, tpu.core_type = #tpu.core_type<tc>, window_params = [{transform_indices = @transform_0, window_bounds = array<i64: 64, 2048>}, {transform_indices = @transform_1, window_bounds = array<i64: 64, 2048>}, {pipeline_mode = #tpu.pipeline_mode<synchronous>, transform_indices = @transform_2, window_bounds = array<i64: 128, 128>}, {transform_indices = @transform_3, window_bounds = array<i64: 2048, 128>}]} {
    %get3A = arith.constant 0 : index
    %get3A_0 = arith.constant 0 : index
    %get3A_1 = vector.load %arg1[%get3A, %get3A_0] : memref<64x2048xf32, #tpu.memory_space<vmem>>, vector<64x2048xf32>
    %get3A_2 = arith.constant 0 : index
    %get3A_3 = arith.constant 0 : index
    %get3A_4 = vector.load %arg2[%get3A_2, %get3A_3] : memref<64x2048xf32, #tpu.memory_space<vmem>>, vector<64x2048xf32>
    %concatenate3A = tpu.concatenate %get3A_1, %get3A_4 in 0 : vector<64x2048xf32>, vector<64x2048xf32> -> vector<128x2048xf32>
    %get3A_5 = arith.constant 0 : index
    %get3A_6 = arith.constant 0 : index
    %get3A_7 = vector.load %arg3[%get3A_5, %get3A_6] : memref<128x128xf32, #tpu.memory_space<vmem>>, vector<128x128xf32>
    %dot_general3A = arith.constant dense<0.000000e+00> : vector<2048x128xf32>
    %dot_general3A_8 = tpu.matmul %concatenate3A, %get3A_7, %dot_general3A {dimension_numbers = #tpu.dot_dimension_numbers<[0], [0], [1], [1], [0, 1, 1, 1], [], []>, transpose_lhs_hint = false} : vector<128x2048xf32>, vector<128x128xf32>, vector<2048x128xf32> -> vector<2048x128xf32>
    %swap3A = arith.constant 0 : index
    %swap3A_9 = arith.constant 0 : index
    %swap3A_10 = vector.load %arg4[%swap3A, %swap3A_9] : memref<2048x128xf32, #tpu.memory_space<vmem>>, vector<2048x128xf32>
    tpu.vector_store %arg4[%swap3A, %swap3A_9], %dot_general3A_8 {strides = array<i32>} : memref<2048x128xf32, #tpu.memory_space<vmem>>, vector<2048x128xf32>,
    return
  }
  func.func @transform_0(%arg0: i32) -> (i32, i32) {
    %c0_i32 = arith.constant 0 : i32
    %c0_i32_0 = arith.constant 0 : i32
    return %c0_i32, %arg0 : i32, i32
  }
  func.func @transform_1(%arg0: i32) -> (i32, i32) {
    %add3A = arith.constant 244 : i32
    %add3A_0 = arith.addi %add3A, %arg0 : i32
    %c0_i32 = arith.constant 0 : i32
    %c0_i32_1 = arith.constant 0 : i32
    return %c0_i32, %add3A_0 : i32, i32
  }
  func.func @transform_2(%arg0: i32) -> (i32, i32) {
    %c0_i32 = arith.constant 0 : i32
    %c0_i32_0 = arith.constant 0 : i32
    %c0_i32_1 = arith.constant 0 : i32
    return %c0_i32, %c0_i32_0 : i32, i32
  }
  func.func @transform_3(%arg0: i32) -> (i32, i32) {
    %c0_i32 = arith.constant 0 : i32
    %c0_i32_0 = arith.constant 0 : i32
    return %arg0, %c0_i32 : i32, i32
  }
}

module attributes {stable_mosaic.version = 14 : i64} {
  func.func @_mlp_pair_body(%arg0: i32, %arg1: memref<2048x128xf32, #tpu.memory_space<vmem>>, %arg2: memref<2048x128xf32, #tpu.memory_space<vmem>>, %arg3: memref<2048x1xf32, #tpu.memory_space<vmem>>, %arg4: memref<128x128xf32, #tpu.memory_space<vmem>>, %arg5: memref<1x128xf32, #tpu.memory_space<vmem>>, %arg6: memref<128x256xf32, #tpu.memory_space<vmem>>, %arg7: memref<128x512xf32, #tpu.memory_space<vmem>>, %arg8: memref<1x256xf32, #tpu.memory_space<vmem>>, %arg9: memref<256x64xf32, #tpu.memory_space<vmem>>, %arg10: memref<1x64xf32, #tpu.memory_space<vmem>>, %arg11: memref<2048x64xf32, #tpu.memory_space<vmem>>) attributes {dimension_semantics = [#tpu.dimension_semantics<arbitrary>], iteration_bounds = array<i64: 8>, scalar_prefetch = 0 : i64, scratch_operands = 0 : i64, tpu.core_type = #tpu.core_type<tc>, window_params = [{transform_indices = @transform_0, window_bounds = array<i64: 2048, 128>}, {transform_indices = @transform_1, window_bounds = array<i64: 2048, 128>}, {transform_indices = @transform_2, window_bounds = array<i64: 2048, 1>}, {pipeline_mode = #tpu.pipeline_mode<synchronous>, transform_indices = @transform_3, window_bounds = array<i64: 128, 128>}, {pipeline_mode = #tpu.pipeline_mode<synchronous>, transform_indices = @transform_4, window_bounds = array<i64: 1, 128>}, {pipeline_mode = #tpu.pipeline_mode<synchronous>, transform_indices = @transform_5, window_bounds = array<i64: 128, 256>}, {pipeline_mode = #tpu.pipeline_mode<synchronous>, transform_indices = @transform_6, window_bounds = array<i64: 128, 512>}, {pipeline_mode = #tpu.pipeline_mode<synchronous>, transform_indices = @transform_7, window_bounds = array<i64: 1, 256>}, {pipeline_mode = #tpu.pipeline_mode<synchronous>, transform_indices = @transform_8, window_bounds = array<i64: 256, 64>}, {pipeline_mode = #tpu.pipeline_mode<synchronous>, transform_indices = @transform_9, window_bounds = array<i64: 1, 64>}, {transform_indices = @transform_10, window_bounds = array<i64: 2048, 64>}]} {
    %get3A = arith.constant 0 : index
    %get3A_0 = arith.constant 0 : index
    %get3A_1 = vector.load %arg1[%get3A, %get3A_0] : memref<2048x128xf32, #tpu.memory_space<vmem>>, vector<2048x128xf32>
    %get3A_2 = arith.constant 0 : index
    %get3A_3 = arith.constant 0 : index
    %get3A_4 = vector.load %arg4[%get3A_2, %get3A_3] : memref<128x128xf32, #tpu.memory_space<vmem>>, vector<128x128xf32>
    %dot_general3A = arith.constant dense<0.000000e+00> : vector<2048x128xf32>
    %dot_general3A_5 = tpu.matmul %get3A_1, %get3A_4, %dot_general3A {dimension_numbers = #tpu.dot_dimension_numbers<[1], [0], [0], [1], [0, 0, 1, 1], [], []>, transpose_lhs_hint = false} : vector<2048x128xf32>, vector<128x128xf32>, vector<2048x128xf32> -> vector<2048x128xf32>
    %get3A_6 = arith.constant 0 : index
    %get3A_7 = arith.constant 0 : index
    %get3A_8 = vector.load %arg5[%get3A_6, %get3A_7] : memref<1x128xf32, #tpu.memory_space<vmem>>, vector<1x128xf32>
    %add3A = vector.broadcast %get3A_8 : vector<1x128xf32> to vector<2048x128xf32>
    %add3A_9 = arith.addf %dot_general3A_5, %add3A : vector<2048x128xf32>
    %get3A_10 = arith.constant 0 : index
    %get3A_11 = arith.constant 0 : index
    %get3A_12 = vector.load %arg6[%get3A_10, %get3A_11] : memref<128x256xf32, #tpu.memory_space<vmem>>, vector<128x256xf32>
    %dot_general3A_13 = arith.constant dense<0.000000e+00> : vector<2048x256xf32>
    %dot_general3A_14 = tpu.matmul %add3A_9, %get3A_12, %dot_general3A_13 {dimension_numbers = #tpu.dot_dimension_numbers<[1], [0], [0], [1], [0, 0, 1, 1], [], []>, transpose_lhs_hint = false} : vector<2048x128xf32>, vector<128x256xf32>, vector<2048x256xf32> -> vector<2048x256xf32>
    %get3A_15 = arith.constant 0 : index
    %get3A_16 = arith.constant 0 : index
    %get3A_17 = vector.load %arg2[%get3A_15, %get3A_16] : memref<2048x128xf32, #tpu.memory_space<vmem>>, vector<2048x128xf32>
    %get3A_18 = arith.constant 0 : index
    %get3A_19 = arith.constant 0 : index
    %get3A_20 = vector.load %arg7[%get3A_18, %get3A_19] : memref<128x512xf32, #tpu.memory_space<vmem>>, vector<128x512xf32>
    %dot_general3A_21 = arith.constant dense<0.000000e+00> : vector<2048x512xf32>
    %dot_general3A_22 = tpu.matmul %get3A_17, %get3A_20, %dot_general3A_21 {dimension_numbers = #tpu.dot_dimension_numbers<[1], [0], [0], [1], [0, 0, 1, 1], [], []>, transpose_lhs_hint = false} : vector<2048x128xf32>, vector<128x512xf32>, vector<2048x512xf32> -> vector<2048x512xf32>
    %get3A_23 = arith.constant 0 : index
    %get3A_24 = arith.constant 0 : index
    %get3A_25 = vector.load %arg3[%get3A_23, %get3A_24] : memref<2048x1xf32, #tpu.memory_space<vmem>>, vector<2048x1xf32>
    %gt3A = arith.constant 5.000000e-01 : f32
    %gt3A_26 = vector.broadcast %gt3A : f32 to vector<2048x1xf32>
    %gt3A_27 = arith.cmpf ogt, %get3A_25, %gt3A_26 : vector<2048x1xf32>
    %slice3A = vector.extract_strided_slice %dot_general3A_22 {offsets = [0, 256], sizes = [2048, 256], strides = [1, 1]} : vector<2048x512xf32> to vector<2048x256xf32>
    %slice3A_28 = vector.extract_strided_slice %dot_general3A_22 {offsets = [0, 0], sizes = [2048, 256], strides = [1, 1]} : vector<2048x512xf32> to vector<2048x256xf32>
    %broadcast_in_dim3A = vector.shape_cast %gt3A_27 : vector<2048x1xi1> to vector<2048x1xi1>
    %broadcast_in_dim3A_29 = vector.broadcast %broadcast_in_dim3A : vector<2048x1xi1> to vector<2048x256xi1>
    %select_n3A = arith.select %broadcast_in_dim3A_29, %slice3A, %slice3A_28 : vector<2048x256xi1>, vector<2048x256xf32>
    %add3A_30 = arith.addf %dot_general3A_14, %select_n3A : vector<2048x256xf32>
    %get3A_31 = arith.constant 0 : index
    %get3A_32 = arith.constant 0 : index
    %get3A_33 = vector.load %arg8[%get3A_31, %get3A_32] : memref<1x256xf32, #tpu.memory_space<vmem>>, vector<1x256xf32>
    %add3A_34 = vector.broadcast %get3A_33 : vector<1x256xf32> to vector<2048x256xf32>
    %add3A_35 = arith.addf %add3A_30, %add3A_34 : vector<2048x256xf32>
    %max3A = arith.constant 0.000000e+00 : f32
    %max3A_36 = vector.broadcast %max3A : f32 to vector<2048x256xf32>
    %max3A_37 = arith.maximumf %add3A_35, %max3A_36 : vector<2048x256xf32>
    %get3A_38 = arith.constant 0 : index
    %get3A_39 = arith.constant 0 : index
    %get3A_40 = vector.load %arg9[%get3A_38, %get3A_39] : memref<256x64xf32, #tpu.memory_space<vmem>>, vector<256x64xf32>
    %dot_general3A_41 = arith.constant dense<0.000000e+00> : vector<2048x64xf32>
    %dot_general3A_42 = tpu.matmul %max3A_37, %get3A_40, %dot_general3A_41 {dimension_numbers = #tpu.dot_dimension_numbers<[1], [0], [0], [1], [0, 0, 1, 1], [], []>, transpose_lhs_hint = false} : vector<2048x256xf32>, vector<256x64xf32>, vector<2048x64xf32> -> vector<2048x64xf32>
    %get3A_43 = arith.constant 0 : index
    %get3A_44 = arith.constant 0 : index
    %get3A_45 = vector.load %arg10[%get3A_43, %get3A_44] : memref<1x64xf32, #tpu.memory_space<vmem>>, vector<1x64xf32>
    %add3A_46 = vector.broadcast %get3A_45 : vector<1x64xf32> to vector<2048x64xf32>
    %add3A_47 = arith.addf %dot_general3A_42, %add3A_46 : vector<2048x64xf32>
    %swap3A = arith.constant 0 : index
    %swap3A_48 = arith.constant 0 : index
    %swap3A_49 = vector.load %arg11[%swap3A, %swap3A_48] : memref<2048x64xf32, #tpu.memory_space<vmem>>, vector<2048x64xf32>
    tpu.vector_store %arg11[%swap3A, %swap3A_48], %add3A_47 {strides = array<i32>} : memref<2048x64xf32, #tpu.memory_space<vmem>>, vector<2048x64xf32>,
    return
  }
  func.func @transform_0(%arg0: i32) -> (i32, i32) {
    %c0_i32 = arith.constant 0 : i32
    %c0_i32_0 = arith.constant 0 : i32
    return %arg0, %c0_i32 : i32, i32
  }
  func.func @transform_1(%arg0: i32) -> (i32, i32) {
    %c0_i32 = arith.constant 0 : i32
    %c0_i32_0 = arith.constant 0 : i32
    return %arg0, %c0_i32 : i32, i32
  }
  func.func @transform_2(%arg0: i32) -> (i32, i32) {
    %c0_i32 = arith.constant 0 : i32
    %c0_i32_0 = arith.constant 0 : i32
    return %arg0, %c0_i32 : i32, i32
  }
  func.func @transform_3(%arg0: i32) -> (i32, i32) {
    %c0_i32 = arith.constant 0 : i32
    %c0_i32_0 = arith.constant 0 : i32
    %c0_i32_1 = arith.constant 0 : i32
    return %c0_i32, %c0_i32_0 : i32, i32
  }
  func.func @transform_4(%arg0: i32) -> (i32, i32) {
    %c0_i32 = arith.constant 0 : i32
    %c0_i32_0 = arith.constant 0 : i32
    %c0_i32_1 = arith.constant 0 : i32
    return %c0_i32, %c0_i32_0 : i32, i32
  }
  func.func @transform_5(%arg0: i32) -> (i32, i32) {
    %c0_i32 = arith.constant 0 : i32
    %c0_i32_0 = arith.constant 0 : i32
    %c0_i32_1 = arith.constant 0 : i32
    return %c0_i32, %c0_i32_0 : i32, i32
  }
  func.func @transform_6(%arg0: i32) -> (i32, i32) {
    %c0_i32 = arith.constant 0 : i32
    %c0_i32_0 = arith.constant 0 : i32
    %c0_i32_1 = arith.constant 0 : i32
    return %c0_i32, %c0_i32_0 : i32, i32
  }
  func.func @transform_7(%arg0: i32) -> (i32, i32) {
    %c0_i32 = arith.constant 0 : i32
    %c0_i32_0 = arith.constant 0 : i32
    %c0_i32_1 = arith.constant 0 : i32
    return %c0_i32, %c0_i32_0 : i32, i32
  }
  func.func @transform_8(%arg0: i32) -> (i32, i32) {
    %c0_i32 = arith.constant 0 : i32
    %c0_i32_0 = arith.constant 0 : i32
    %c0_i32_1 = arith.constant 0 : i32
    return %c0_i32, %c0_i32_0 : i32, i32
  }
  func.func @transform_9(%arg0: i32) -> (i32, i32) {
    %c0_i32 = arith.constant 0 : i32
    %c0_i32_0 = arith.constant 0 : i32
    %c0_i32_1 = arith.constant 0 : i32
    return %c0_i32, %c0_i32_0 : i32, i32
  }
  func.func @transform_10(%arg0: i32) -> (i32, i32) {
    %c0_i32 = arith.constant 0 : i32
    %c0_i32_0 = arith.constant 0 : i32
    return %arg0, %c0_i32 : i32, i32
  }
}

</mosaic_0001>

<sc_bundles>
// kernel: kernel.5.cloned.1.call-start
scs
__scs_entry_jumppad:
0x0: {  	(pc) =	sbr.rel $0x88, $3  }
0x1: {  	(tag) =	ssettag $0x0;
	lr =	simm.s32 $0x1  }
0x2: {  	[smem:$0x3F98] =	sst lr;
	_ =	strace $0xD0000000  }
0x3: {  	_ = 	snop  }
0x4: {  	_ = 	snop  }
0x5: {  	_ = 	snop  }
0x6: {  	_ = 	snop  }
0x7: {  	_ = 	snop  }
__scs_overlays_trampoline_lowered:
0x8: {  	[smem:$0x3FA7] =	sst s0  }
0x9: {  	[smem:$0x3FA8] =	sst s1  }
0xa: {  	[smem:$0x3FA9] =	sst s2  }
0xb: {  	[smem:$0x3FAA] =	sst s3  }
0xc: {  	[smem:$0x3FAB] =	sst s4  }
0xd: {  	[smem:$0x3FAC] =	sst s5  }
0xe: {  	[smem:$0x3FAD] =	sst s6  }
0xf: {  	[smem:$0x3FAE] =	sst s7  }
0x10: {  	[smem:$0x3FAF] =	sst s8  }
0x11: {  	[smem:$0x3FB0] =	sst s9;
	s0 =	simm.s32 @!p0 $0x0  }
0x12: {  	s1 =	sld [smem:$0x3F96];
	s0 =	simm.s32 @p0 $0x1  }
0x13: {  	[smem:$0x3FB1] =	sst s0;
	s0 =	simm.s32 @!p1 $0x0  }
0x14: {  	s2 =	sld [smem:$0x3F95];
	s0 =	simm.s32 @p1 $0x1  }
0x15: {  	[smem:$0x3FB2] =	sst s0;
	s0 =	simm.s32 @!p2 $0x0  }
0x16: {  	s3 =	sld [smem:$0x3FDB];
	s0 =	simm.s32 @p2 $0x1  }
0x17: {  	s4 =	simm.s32 $0x1BF5;
	[smem:$0x3FB4] =	sst s0  }
0x18: {  	s0 =	sld [smem:$0x3F97];
	_ =	swait.ge [sflag:s4], $0x0  }
0x19: {  	s7 =	sld [smem:$0x3F98]  }
0x1a: {  	s8 =	sadd.s32 $0xFFFFE003, lr  }
0x1b: {  	s9 =	sadd.s32 $0xFFFFFEF7, lr;
	s5 =	simm.s32 $0xFFFFFFFF;
	p2 =	slt.u32 s8, $0xFFFFF086  }
0x1c: {  	p1 =	slt.u32 s9, $0xF7A;
	s5 =	simm.s32 @!p2 $0x0  }
0x1d: {  	s5 =	simm.s32 @p1 $0x1;
	p0 =	seq.s32 s7, s2  }
0x1e: {  	s7 =	smul.u32 @!p0 $0xF7A, s2;
	p2 =	seq.s32 @!p0 s5, $0x0  }
0x1f: {  	s9 =	smul.u32 $0xF7A, s1;
	s8 =	simm.s32 @!p0 $0x1BF5;
	p2 =	por !p2, p0  }
0x20: {  	[sflag:s8] =	ssyncset.s32 @!p0 $0xFFFFF086;
	s6 =	sadd.s32 @!p0 s3, s7;
	s7 =	simm.s32 @!p0 $0x108  }
0x21: {  	s3 =	sadd.s32 s3, s9;
	s6 =	sadd.s32 @!p0 $0x88, s6;
	s7 =	simm.s32 @p2 $0x1082  }
0x22: {  	[simem:s7], [sflag:s8] =	dma.local @!p0 [hbm:s6], $0xF7A  }
0x23: {  	s9 =	sor.u32 $0xD0000000, s2;
	s6 =	simm.s32 $0x108;
	_ =	swait.ge @!p0 [sflag:s8], $0x0  }
0x24: {  	s3 =	sadd.s32 $0x88, s3;
	s6 =	simm.s32 @!p1 $0x1082;
	[sflag:s4] =	ssyncset.s32 $0xFFFFF086  }
0x25: {  	[simem:s6], [sflag:s4] =	dma.local [hbm:s3], $0xF7A  }
0x26: {  	[smem:$0x3F98] =	sst s1;
	(tag) =	ssettag s2;
	_ =	strace s9  }
0x27: {  	s1 =	sld [smem:$0x3FA8]  }
0x28: {  	s2 =	sld [smem:$0x3FA9]  }
0x29: {  	s4 =	sld [smem:$0x3FAB]  }
0x2a: {  	p0 =	seq.s32 s5, $0x0;
	s5 =	sld [smem:$0x3FAC]  }
0x2b: {  	s6 =	sld [smem:$0x3FAD]  }
0x2c: {  	s7 =	sld [smem:$0x3FAE]  }
0x2d: {  	s3 =	simm.s32 $0x108;
	s8 =	sld [smem:$0x3FAF]  }
0x2e: {  	s3 =	simm.s32 @!p0 $0x1082;
	s9 =	sld [smem:$0x3FB0]  }
0x2f: {  	lr =	sadd.s32 s0, s3;
	s0 =	sld [smem:$0x3FA7]  }
0x30: {  	s3 =	sld [smem:$0x3FAA]  }
0x31: {  	[smem:$0x3FB3] =	sst s10  }
0x32: {  	s10 =	sld [smem:$0x3FB1];
	_ =	sdelay $0x3  }
0x33: {  	p0 =	seq.s32 s10, $0x1;
	s10 =	sld [smem:$0x3FB3];
	_ =	sdelay $0x3  }
0x34: {  	[smem:$0x3FB3] =	sst s10  }
0x35: {  	s10 =	sld [smem:$0x3FB2];
	_ =	sdelay $0x3  }
0x36: {  	p1 =	seq.s32 s10, $0x1;
	s10 =	sld [smem:$0x3FB3];
	_ =	sdelay $0x3  }
0x37: {  	[smem:$0x3FB3] =	sst s10  }
0x38: {  	s10 =	sld [smem:$0x3FB4]  }
0x39: {  	_ = 	snop;
	(pc) =	sbr.ind lr, $3  }
0x3a: {  	_ = 	snop  }
0x3b: {  	_ = 	snop  }
0x3c: {  	p2 =	seq.s32 s10, $0x1;
	s10 =	sld [smem:$0x3FB3]  }
0x3d: {  	_ =	shalt  }
0x3e: {  	_ =	shalt  }
0x3f: {  	_ =	shalt  }
0x40: {  	_ =	shalt  }
0x41: {  	_ =	shalt  }
0x42: {  	_ =	shalt  }
0x43: {  	_ =	shalt  }
0x44: {  	_ =	shalt  }
0x45: {  	_ =	shalt  }
0x46: {  	_ =	shalt  }
0x47: {  	_ =	shalt  }
0x48: {  	_ =	shalt  }
0x49: {  	_ =	shalt  }
0x4a: {  	_ =	shalt  }
0x4b: {  	_ =	shalt  }
0x4c: {  	_ =	shalt  }
0x4d: {  	_ =	shalt  }
0x4e: {  	_ =	shalt  }
0x4f: {  	_ =	shalt  }
0x50: {  	_ =	shalt  }
0x51: {  	_ =	shalt  }
0x52: {  	_ =	shalt  }
0x53: {  	_ =	shalt  }
0x54: {  	_ =	shalt  }
0x55: {  	_ =	shalt  }
0x56: {  	_ =	shalt  }
0x57: {  	_ =	shalt  }
0x58: {  	_ =	shalt  }
0x59: {  	_ =	shalt  }
0x5a: {  	_ =	shalt  }
0x5b: {  	_ =	shalt  }
0x5c: {  	_ =	shalt  }
0x5d: {  	_ =	shalt  }
0x5e: {  	_ =	shalt  }
0x5f: {  	_ =	shalt  }
0x60: {  	_ =	shalt  }
0x61: {  	_ =	shalt  }
0x62: {  	_ =	shalt  }
0x63: {  	_ =	shalt  }
0x64: {  	_ =	shalt  }
0x65: {  	_ =	shalt  }
0x66: {  	_ =	shalt  }
0x67: {  	_ =	shalt  }
0x68: {  	_ =	shalt  }
0x69: {  	_ =	shalt  }
0x6a: {  	_ =	shalt  }
0x6b: {  	_ =	shalt  }
0x6c: {  	_ =	shalt  }
0x6d: {  	_ =	shalt  }
0x6e: {  	_ =	shalt  }
0x6f: {  	_ =	shalt  }
0x70: {  	_ =	shalt  }
0x71: {  	_ =	shalt  }
0x72: {  	_ =	shalt  }
0x73: {  	_ =	shalt  }
0x74: {  	_ =	shalt  }
0x75: {  	_ =	shalt  }
0x76: {  	_ =	shalt  }
0x77: {  	_ =	shalt  }
0x78: {  	_ =	shalt  }
0x79: {  	_ =	shalt  }
0x7a: {  	_ =	shalt  }
0x7b: {  	_ =	shalt  }
0x7c: {  	_ =	shalt  }
0x7d: {  	_ =	shalt  }
0x7e: {  	_ =	shalt  }
0x7f: {  	_ =	shalt  }
0x80: {  	_ =	shalt  }
0x81: {  	_ =	shalt  }
0x82: {  	_ =	shalt  }
0x83: {  	_ =	shalt  }
0x84: {  	_ =	shalt  }
0x85: {  	_ =	shalt  }
0x86: {  	_ =	shalt  }
0x87: {  	_ =	shalt  }
.Lfunc_end0:
.L_simem_size_0:
called_computation_lowered:
.L_overlay_start_0:
0x88: {  	s2 =	sld [smem:$0x3FD9]  }
0x89: {  	s3 =	sld [smem:$0x3FFE];
	_ =	sdelay $0x1  }
0x8a: {  	s1 =	srdreg.scid  }
0x8b: {  	s0 =	sand.u32 $0x1, s1  }
0x8c: {  	s17 =	sshll.u32 s0, $0xA;
	s2 =	sadd.s32 s3, s2  }
0x8d: {  	s2 =	sadd.s32 s2, s17  }
0x8e: {  	[smem:$0x3FBF] =	sst s2  }
0x8f: {  	_ = 	snop  }
0x90: {  	s2 =	sld [smem:$0x3FD0];
	(tm) =	ssettm $0x1  }
0x91: {  	s18 =	sld [smem:$0x3FFB];
	_ =	sdelay $0x3  }
0x92: {  	_ =	strace s18  }
0x93: {  	s3 =	sld [smem:$0x3FFC];
	_ =	sdelay $0x3  }
0x94: {  	_ =	strace s3  }
0x95: {  	s3 =	sld [smem:$0x3FFD];
	_ =	sdelay $0x3  }
0x96: {  	_ =	strace s3  }
0x97: {  	_ =	strace $0x8FFFFFFF  }
0x98: {  	s19 =	sld [smem:$0x3FDB];
	_ =	sdelay $0x1  }
0x99: {  	s4 =	simm.s32 $_scs_section_size  }
0x9a: {  	s5 =	simm.s32 $_size__tile_overlayer_lowered;
	s6 =	simm.s32 $_tile_overlayer_lowered  }
0x9b: {  	s22 =	simm.s32 $0x1BFF;
	s21 =	sshll.u32 s6, $0x1;
	s3 =	sadd.s32 s4, s19  }
0x9c: {  	s7 =	simm.s32 $0x0;
	s20 =	sshll.u32 s5, $0x1;
	s5 =	sadd.s32 s21, s3  }
0x9d: {  	[timem:s7], [sflag:s22] =	dma.local [hbm:s5], s20  }
0x9e: {  	_ =	swait.ge [sflag:s22], s20  }
0x9f: {  	s4 =	ssub.s32 $0x0, s20;
	[sflag:s22] =	ssyncset.done $0x0  }
0xa0: {  	[sflag:s22] =	ssyncadd.s32 s4;
	_ =	sdelay $0x1  }
0xa1: {  	s23 =	simm.s32 $0x1B8B  }
0xa2: {  	_ =	swait.ge [sflag:s23], $0x1  }
0xa3: {  	[sflag:s23] =	ssyncset.done $0x0  }
0xa4: {  	s25 =	simm.s32 $0x1B8E;
	s24 =	sld [smem:$0x3FFE];
	[sflag:s23] =	ssyncadd.s32 $0xFFFFFFFF  }
0xa5: {  	s26 =	simm.s32 $execute0_lowered;
	[smem:$0x3FD2] =	sst s25  }
0xa6: {  	s5 =	sshll.u32 s26, $0x1;
	_ =	strace $0x80000046;
	[dreg:$0x1] =	wrdreg $0xFFFFFFFF  }
0xa7: {  	s28 =	simm.s32 $_size_execute0_lowered;
	s3 =	sadd.s32 s3, s5;
	[dreg:$0x0] =	wrdreg $0x0  }
0xa8: {  	s5 =	sshll.u32 s28, $0x1;
	[dreg:$0x2] =	wrdreg s3  }
0xa9: {  	[dreg:$0x3] =	wrdreg s5  }
0xaa: {  	[dreg:$0x4] =	wrdreg $0xC0  }
0xab: {  	_ =	task [dreg:s7], $0x5FFFF  }
0xac: {  	[dreg:$0x1] =	wrdreg $0xFFFFFFFF  }
0xad: {  	[dreg:$0x0] =	wrdreg $0x60  }
0xae: {  	[dreg:$0x2] =	wrdreg s24  }
0xaf: {  	[dreg:$0x3] =	wrdreg s2  }
0xb0: {  	[dreg:$0x4] =	wrdreg $0x9  }
0xb1: {  	_ =	task.clear_ibuf [dreg:s7], $0x5FFFF;
	_ =	strace $0x90000046  }
0xb2: {  	s29 =	simm.s32 $0x9;
	_ =	strace $0x80000048  }
0xb3: {  	_ =	swait.ge [sflag:s29], $0x1  }
0xb4: {  	[sflag:s29] =	ssyncadd.s32 $0xFFFFFFFF  }
0xb5: {  	_ =	strace $0x90000048  }
0xb6: {  	_ =	sfence  }
0xb7: {  	s30 =	sld [smem:$0x0];
	_ =	sdelay $0x2  }
0xb8: {  	s31 =	sshll.u32 s1, $0xD;
	s1 =	sshrl.u32 s1, $0x2  }
0xb9: {  	s3 =	sand.u32 $0x4000, s31;
	s1 =	sadd.s32 s1, s30  }
0xba: {  	s0 =	sor.u32 s3, s0;
	s1 =	sshll.u32 s1, $0x11  }
0xbb: {  	s0 =	sor.u32 s1, s0  }
0xbc: {  	s0 =	sadd.s32 $0x8F2B, s0  }
0xbd: {  	[sflag:s0] =	ssyncadd.remote.s32 $0x1  }
0xbe: {  	_ =	sfence.sel $0xFFFF  }
0xbf: {  	[dreg:$0x0] =	wrdreg $0xFFFFFFFF;
	(pc) =	sbr.abs _section_cstart, $3  }
0xc0: {  	[dreg:$0x1] =	wrdreg $0xFFFFFFFF  }
0xc1: {  	_ =	task.clear_ibuf [dreg:s7], $0x2FFFF;
	_ =	strace $0x9FFFFFFF  }
0xc2: {  	(tm) =	ssettm $0x7FFFFFFF  }
0xc3: {  	_ =	shalt  }
tec
execute0_lowered:
.L_overlay_start_1:
0x0: {  	(tag) =	ssettag $0x1  }
0x1: {  	s1 =	srdreg.scid  }
0x2: {  	s14 =	rddreg [dreg:$0x0];
	s0 =	stileid.u32;
	s15 =	sand.u32 $0x1, s1  }
0x3: {  	s3 =	rddreg [dreg:$0x1];
	s4 =	sshll.u32 s0, $0xA;
	s5 =	sshll.u32 s15, $0x9  }
0x4: {  	s2 =	simm.s32 $0x0;
	s1 =	rddreg [dreg:$0x2];
	s16 =	sor.u32 s5, s4  }
0x5: {  	[smem:$0x7FF] =	sst s2;
	s4 =	sshrl.u32 s16, $0x3  }
0x6: {  	_ =	strace $0x80000047;
	s4 =	sadd.s32 s3, s4;
	s3 =	simm.s32 $0x2  }
0x7: {  	[tilespmem:s2], [sflag:$0x2] =	stream.linear.gather [hbm4b:s4+s2], $0x200, $0x38;
	[tilespmem:$0x10200] =	vst v63  }
0x8: {  	_ =	swait.ge [sflag:s3], $0x200  }
0x9: {  	s6 =	simm.s32 $0x80;
	[sflag:s3] =	ssyncset.done $0x0  }
0xa: {  	s7 =	simm.s32 $0x200;
	s5 =	sadd.s32 $0x1800, s14;
	[sflag:s3] =	ssyncadd.s32 $0xFFFFFE00  }
0xb: {  	[tilespmem:s7], [sflag:$0x1] =	stream.indirect.gather [hbm4b:s5+s6], $0x80, s2, s6, $0xb8;
	[tilespmem:$0x10200] =	vst v63  }
0xc: {  	s8 =	simm.s32 $0x4200  }
0xd: {  	[tilespmem:s8], [sflag:$0x1] =	stream.indirect.gather [hbm4b:s5+s6], $0x80, s6, s6, $0xb8;
	[tilespmem:$0x10200] =	vst v63  }
0xe: {  	s9 =	simm.s32 $0x100;
	s10 =	simm.s32 $0x8200  }
0xf: {  	[tilespmem:s10], [sflag:$0x1] =	stream.indirect.gather [hbm4b:s5+s6], $0x80, s9, s6, $0xb8;
	[tilespmem:$0x10200] =	vst v63  }
0x10: {  	s11 =	simm.s32 $0x180;
	s12 =	simm.s32 $0xC200;
	s13 =	simm.s32 $0x1  }
0x11: {  	[tilespmem:s12], [sflag:$0x1] =	stream.indirect.gather [hbm4b:s5+s6], $0x80, s11, s6, $0xb8;
	[tilespmem:$0x10200] =	vst v63  }
0x12: {  	_ =	swait.ge [sflag:s13], $0x4000  }
0x13: {  	[sflag:s13] =	ssyncset.done $0x0  }
0x14: {  	[sflag:s13] =	ssyncadd.s32 $0xFFFFC000  }
0x15: {  	_ =	swait.ge [sflag:s13], $0x4000  }
0x16: {  	[sflag:s13] =	ssyncset.done $0x0  }
0x17: {  	s15 =	ssub.s32 $0x2, s15;
	[sflag:s13] =	ssyncadd.s32 $0xFFFFC000  }
0x18: {  	s17 =	sshrl.u32 s15, $0x1;
	_ =	swait.ge [sflag:s13], $0x4000  }
0x19: {  	s15 =	ssub.s32 s15, s17;
	[sflag:s13] =	ssyncset.done $0x0  }
0x1a: {  	s15 =	smax.u32 s15, $0x1;
	[sflag:s13] =	ssyncadd.s32 $0xFFFFC000  }
0x1b: {  	s16 =	sshll.u32 s16, $0x4;
	p0 =	sne.s32 s15, $0x1;
	_ =	swait.ge [sflag:s13], $0x4000  }
.Ltmp0:
0x1c: {  	s14 =	sadd.s32 s16, s14;
	[sflag:s13] =	ssyncset.done $0x0;
	(pc) =	sbr.rel @!p0 .LBB2_2-.Ltmp0, $4  }
0x1d: {  	s14 =	sadd.s32 $0x7A3C00, s14;
	[sflag:s13] =	ssyncadd.s32 $0xFFFFC000  }
0x1e: {  	[hbm4b:s14+s2] =	stream.linear.scatter [tilespmem:s7], [sflag:$0x2], $0x10000, $0x38;
	[tilespmem:$0x10200] =	vst v63  }
0x1f: {  	_ =	swait.ge [sflag:s3], $0x10000  }
0x20: {  	s15 =	sadd.s32 $0xFFFFFFFF, s15;
	[sflag:s3] =	ssyncset.done $0x0  }
.LBB2_1:
0x21: {  	p0 =	sne.s32 s15, $0x1;
	s15 =	sadd.s32 $0xFFFFFFFF, s15;
	[sflag:s3] =	ssyncadd.s32 $0xFFFF0000  }
0x22: {  	[tilespmem:s2], [sflag:$0x2] =	stream.linear.gather [hbm4b:s4+s2], $0x200, $0x38;
	[tilespmem:$0x10200] =	vst v63  }
0x23: {  	_ =	swait.ge [sflag:s3], $0x200  }
0x24: {  	[sflag:s3] =	ssyncset.done $0x0  }
0x25: {  	[sflag:s3] =	ssyncadd.s32 $0xFFFFFE00  }
0x26: {  	[tilespmem:s7], [sflag:$0x1] =	stream.indirect.gather [hbm4b:s5+s6], $0x80, s2, s6, $0xb8;
	[tilespmem:$0x10200] =	vst v63  }
0x27: {  	_ = 	snop  }
0x28: {  	[tilespmem:s8], [sflag:$0x1] =	stream.indirect.gather [hbm4b:s5+s6], $0x80, s6, s6, $0xb8;
	[tilespmem:$0x10200] =	vst v63  }
0x29: {  	_ = 	snop  }
0x2a: {  	[tilespmem:s10], [sflag:$0x1] =	stream.indirect.gather [hbm4b:s5+s6], $0x80, s9, s6, $0xb8;
	[tilespmem:$0x10200] =	vst v63  }
0x2b: {  	_ = 	snop  }
0x2c: {  	[tilespmem:s12], [sflag:$0x1] =	stream.indirect.gather [hbm4b:s5+s6], $0x80, s11, s6, $0xb8;
	[tilespmem:$0x10200] =	vst v63  }
0x2d: {  	_ =	swait.ge [sflag:s13], $0x4000  }
0x2e: {  	[sflag:s13] =	ssyncset.done $0x0  }
0x2f: {  	[sflag:s13] =	ssyncadd.s32 $0xFFFFC000  }
0x30: {  	_ =	swait.ge [sflag:s13], $0x4000  }
0x31: {  	[sflag:s13] =	ssyncset.done $0x0  }
0x32: {  	[sflag:s13] =	ssyncadd.s32 $0xFFFFC000  }
0x33: {  	_ =	swait.ge [sflag:s13], $0x4000  }
0x34: {  	[sflag:s13] =	ssyncset.done $0x0  }
0x35: {  	[sflag:s13] =	ssyncadd.s32 $0xFFFFC000  }
0x36: {  	_ =	swait.ge [sflag:s13], $0x4000  }
.Ltmp1:
0x37: {  	[sflag:s13] =	ssyncset.done $0x0;
	(pc) =	sbr.rel @p0 .LBB2_1-.Ltmp1, $4  }
0x38: {  	[sflag:s13] =	ssyncadd.s32 $0xFFFFC000  }
0x39: {  	[hbm4b:s14+s2] =	stream.linear.scatter [tilespmem:s7], [sflag:$0x2], $0x10000, $0x38;
	[tilespmem:$0x10200] =	vst v63  }
0x3a: {  	_ =	swait.ge [sflag:s3], $0x10000  }
0x3b: {  	[sflag:s3] =	ssyncset.done $0x0  }
.LBB2_2:
0x3c: {  	[sflag:s3] =	ssyncadd.s32 $0xFFFF0000  }
0x3d: {  	_ =	sfence.sel $0x180000  }
0x3e: {  	[bflag:$0x0] =	sbarrier.arrive $0xFFFF  }
0x3f: {  	p0 =	sne.s32 s0, $0x0;
	_ =	strace $0x90000047  }
0x40: {  	s0 =	sadd.s32 @!p0 $0x100000, s1;
	[bflag:$0x2] =	sbarrier.arrive $0xFFFF  }
0x41: {  	[sflag:s0] =	ssyncadd.tile.s32 @!p0 $0x1;
	_ =	shalt  }
.Lfunc_end2:
_tile_overlayer_lowered:
.L_overlay_start_2:
0x42: {  	(tag) =	ssettag $0x2  }
0x43: {  	s0 =	rddreg [dreg:$0x0];
	s2 =	stileid.u32  }
0x44: {  	s1 =	rddreg [dreg:$0x1];
	p0 =	sne.s32 s2, $0x0  }
0x45: {  	s3 =	rddreg [dreg:$0x2];
	[bflag:$0x3] =	sbarrier.arrive $0xFFFF;
	s2 =	simm.s32 @!p0 $0x1C02  }
0x46: {  	[timem:s3], [sflag:s2] =	dma.local @!p0 [hbm:s0], s1  }
0x47: {  	s0 =	simm.s32 @!p0 $0x2  }
0x48: {  	_ =	swait.ge @!p0 [sflag:s0], s1  }
0x49: {  	s1 =	ssub.s32 @!p0 $0x0, s1;
	[sflag:s0] =	ssyncset.done @!p0 $0x0  }
0x4a: {  	[sflag:s0] =	ssyncadd.s32 @!p0 s1  }
0x4b: {  	[bflag:$0x3] =	sbarrier.arrive $0xFFFF  }
0x4c: {  	_ =	shalt  }

</sc_bundles>
